<compile_context>
chip_gen: v7x
topology: tpu7x:2x2x1
jax: 0.10.2.dev20260603
libtpu: 0.0.44.dev20260713+nightly
codegen_flags: <defaults>
</compile_context>

<pallas_src>
import functools

import jax
import jax.numpy as jnp
from jax import lax
from jax.experimental import pallas as pl
from jax.experimental.pallas import tpu as pltpu
from jax.experimental.pallas import tpu_sc as plsc

VOCAB = 8192
DIM = 32
COMMIT = 0.25
N_POINTS = 8192


_BN = 512


def _argmin_body(x_ref, w_ref, x2_ref, w2_ref, idx_ref):
    x2d = x_ref[...]
    w = w_ref[...]
    x2 = x2_ref[...]
    w2 = w2_ref[...]
    xw2 = lax.dot_general(
        x2d, w, (((1,), (1,)), ((), ())),
        preferred_element_type=jnp.float32,
    )
    d2 = x2 + w2[None, :] - xw2
    d = jnp.sqrt(jnp.maximum(d2, 0.0))
    m = jnp.min(d, axis=1, keepdims=True)
    ks = lax.broadcasted_iota(jnp.int32, d.shape, 1)
    idx = jnp.min(jnp.where(d == m, ks, jnp.int32(VOCAB)), axis=1)
    idx_ref[...] = idx


def _tc_argmin(xf, W, x2, w2):
    return pl.pallas_call(
        _argmin_body,
        grid=(N_POINTS // _BN,),
        in_specs=[
            pl.BlockSpec((_BN, DIM), lambda i: (i, 0)),
            pl.BlockSpec((VOCAB, DIM), lambda i: (0, 0)),
            pl.BlockSpec((_BN, 1), lambda i: (i, 0)),
            pl.BlockSpec((VOCAB,), lambda i: (0,)),
        ],
        out_specs=pl.BlockSpec((_BN,), lambda i: (i,)),
        out_shape=jax.ShapeDtypeStruct((N_POINTS,), jnp.int32),
    )(xf, W, x2, w2)



_NC, _NS, _L = 2, 16, 16
_NW = _NC * _NS
_BPW = N_POINTS // _NW
_CHUNK = 128


def _sc_body(w_hbm, idx_hbm, x_hbm, qst_hbm, part_hbm,
             idx_v, rows_v, x_v, acc_v, sem):
    wid = lax.axis_index("s") * _NC + lax.axis_index("c")
    base = wid * _BPW
    for j in range(_BPW // _CHUNK):
        pltpu.sync_copy(idx_hbm.at[pl.ds(base + j * _CHUNK, _CHUNK)],
                        idx_v.at[j])
    for j in range(_BPW // _CHUNK):
        pltpu.async_copy(
            w_hbm.at[idx_v.at[j]],
            rows_v.at[pl.ds(j * _CHUNK, _CHUNK)],
            sem,
        ).wait()
    pltpu.sync_copy(x_hbm.at[pl.ds(base, _BPW)], x_v)

    def body(i, acc):
        a = acc
        for h in range(0, DIM, _L):
            q = rows_v[i, pl.ds(h, _L)]
            xx = x_v[i, pl.ds(h, _L)]
            t = q - xx
            rows_v[i, pl.ds(h, _L)] = xx + t
            a = a + t * t
        return a

    acc = lax.fori_loop(0, _BPW, body, jnp.zeros((_L,), jnp.float32))
    acc_v[...] = acc
    pltpu.sync_copy(acc_v, part_hbm.at[wid])
    pltpu.sync_copy(rows_v, qst_hbm.at[pl.ds(base, _BPW)])


@functools.cache
def _sc_gather():
    return pl.kernel(
        _sc_body,
        out_type=[
            jax.ShapeDtypeStruct((N_POINTS, DIM), jnp.float32),
            jax.ShapeDtypeStruct((_NW, _L), jnp.float32),
        ],
        mesh=plsc.VectorSubcoreMesh(core_axis_name="c", subcore_axis_name="s",
                                    num_cores=_NC, num_subcores=_NS),
        scratch_types=[
            pltpu.VMEM((_BPW // _CHUNK, _CHUNK), jnp.int32),
            pltpu.VMEM((_BPW, DIM), jnp.float32),
            pltpu.VMEM((_BPW, DIM), jnp.float32),
            pltpu.VMEM((_L,), jnp.float32),
            pltpu.SemaphoreType.DMA,
        ],
        compiler_params=pltpu.CompilerParams(use_tc_tiling_on_sc=False),
    )




def kernel(x, W):
    xf = x.reshape(N_POINTS, DIM)
    x2 = jnp.sum(x * x, axis=-1, keepdims=True).reshape(N_POINTS, 1)
    w2 = jnp.sum(W * W, axis=-1)
    idx = _tc_argmin(xf + xf, W, x2, w2)
    qst, parts = _sc_gather()(W, idx, xf)
    c = jnp.sum(parts) * jnp.float32(1.0 / (N_POINTS * DIM))
    codebook_loss = c
    loss = codebook_loss + jnp.float32(COMMIT) * c
    return (
        qst.reshape(x.shape),
        loss,
        codebook_loss,
        idx.reshape(x.shape[:2]),
    )

# --- scband reference (transcript-rebuilt; emitter-appended) ---
"""Pipeline reference for scband-quantiser-25709674234598 (READ-ONLY COPY).

The authoritative reference and input builder live on the scoring server;
editing this copy changes nothing except your own understanding.
"""

import jax, jax.numpy as jnp
import numpy as np

VOCAB = 8192
DIM = 32
COMMIT = 0.25

def setup_inputs(seed: int = 0) -> dict:
    key = jax.random.key(seed)
    k1, k2 = jax.random.split(key)
    x = jax.random.normal(k1, (8, 1024, DIM), dtype=jnp.float32)
    W = jax.random.uniform(k2, (VOCAB, DIM), dtype=jnp.float32, minval=-1.0 / VOCAB, maxval=1.0 / VOCAB)
    return {"x": x, "W": W}

def _cdist(x, W):
    # euclidean distance, matches torch.cdist(x, W, p=2) with broadcasting
    x2 = jnp.sum(x * x, axis=-1, keepdims=True)            # [B, N, 1]
    w2 = jnp.sum(W * W, axis=-1)                           # [K]
    xw = jnp.einsum('bnd,kd->bnk', x, W)                   # [B, N, K]
    d2 = x2 + w2[None, None, :] - 2.0 * xw
    return jnp.sqrt(jnp.maximum(d2, 0.0))

def reference(x, W):
    distances = _cdist(x, W)                               # [B, N, K]
    min_distance_index = jnp.argmin(distances, axis=-1)    # [B, N] int
    quantised = jnp.take(W, min_distance_index, axis=0)    # embedding lookup
    codebook_loss = jnp.mean((quantised - jax.lax.stop_gradient(x)) ** 2)
    e_latent_loss = jnp.mean((jax.lax.stop_gradient(quantised) - x) ** 2)
    loss = codebook_loss + COMMIT * e_latent_loss
    quantised_st = x + jax.lax.stop_gradient(quantised - x)  # straight-through
    return (quantised_st, loss, codebook_loss, min_distance_index)

if __name__ == "__main__":
    import jax
    _d = setup_inputs()
    print(jax.jit(kernel)(*tuple(_d.values())))

</pallas_src>

<mosaic_0001>
#map = affine_map<(d0, d1) -> (0, 0)>
#map1 = affine_map<(d0, d1) -> (0)>
module attributes {stable_mosaic.version = 14 : i64} {
  func.func @_sc_body(%arg0: i32, %arg1: i32, %arg2: memref<8192x32xf32, #tpu.memory_space<hbm>>, %arg3: memref<8192xi32, #tpu.memory_space<hbm>>, %arg4: memref<8192x32xf32, #tpu.memory_space<hbm>>, %arg5: memref<8192x32xf32, #tpu.memory_space<hbm>>, %arg6: memref<32x16xf32, #tpu.memory_space<hbm>>, %arg7: memref<2x128xi32, #tpu.memory_space<vmem>>, %arg8: memref<256x32xf32, #tpu.memory_space<vmem>>, %arg9: memref<256x32xf32, #tpu.memory_space<vmem>>, %arg10: memref<16xf32, #tpu.memory_space<vmem>>, %arg11: memref<!tpu.dma_semaphore, #tpu.memory_space<semaphore_mem>>) attributes {dimension_semantics = [#tpu.dimension_semantics<core_parallel>, #tpu.dimension_semantics<subcore_parallel>], iteration_bounds = array<i64: 2, 16>, scalar_prefetch = 0 : i64, scratch_operands = 5 : i64, tpu.core_type = #tpu.core_type<sc_vector_subcore>, window_params = [{transform_indices = #map}, {transform_indices = #map1}, {transform_indices = #map}, {transform_indices = #map}, {transform_indices = #map}]} {
    %mul3A = arith.constant 2 : i32
    %mul3A_0 = arith.muli %arg1, %mul3A : i32
    %add3A = arith.addi %mul3A_0, %arg0 : i32
    %mul3A_1 = arith.constant 256 : i32
    %mul3A_2 = arith.muli %add3A, %mul3A_1 : i32
    %add3A_3 = arith.constant 0 : i32
    %add3A_4 = arith.addi %mul3A_2, %add3A_3 : i32
    %run_scoped3A = arith.constant 0 : i32
    "tpu.region"() ({
      %run_scoped3A_55 = tpu.sem_alloc : memref<!tpu.dma_semaphore, #tpu.memory_space<semaphore_mem>>
      %dma_start3A_56 = arith.constant 0 : i32
      %dma_start3A_57 = tpu.memref_slice %arg7[%run_scoped3A, %dma_start3A_56] : memref<2x128xi32, #tpu.memory_space<vmem>> -> memref<1x128xi32, #tpu.memory_space<vmem>>
      %dma_start3A_58 = tpu.memref_squeeze %dma_start3A_57 : memref<1x128xi32, #tpu.memory_space<vmem>> -> memref<128xi32, #tpu.memory_space<vmem>>
      %dma_start3A_59 = tpu.memref_slice %arg3[%add3A_4] : memref<8192xi32, #tpu.memory_space<hbm>> -> memref<128xi32, #tpu.memory_space<hbm>>
      %dma_start3A_60 = arith.constant 0 : i32
      %dma_start3A_61 = tpu.memref_slice %arg7[%run_scoped3A, %dma_start3A_60] : memref<2x128xi32, #tpu.memory_space<vmem>> -> memref<1x128xi32, #tpu.memory_space<vmem>>
      %dma_start3A_62 = tpu.memref_squeeze %dma_start3A_61 : memref<1x128xi32, #tpu.memory_space<vmem>> -> memref<128xi32, #tpu.memory_space<vmem>>
      %dma_start3A_63 = tpu.memref_slice %arg3[%add3A_4] : memref<8192xi32, #tpu.memory_space<hbm>> -> memref<128xi32, #tpu.memory_space<hbm>>
      tpu.enqueue_dma source(%dma_start3A_63 : memref<128xi32, #tpu.memory_space<hbm>>) target(%dma_start3A_62 : memref<128xi32, #tpu.memory_space<vmem>>) target_semaphore(%run_scoped3A_55 : memref<!tpu.dma_semaphore, #tpu.memory_space<semaphore_mem>>)
      %dma_wait3A_64 = arith.constant 0 : i32
      %dma_wait3A_65 = tpu.memref_slice %arg7[%run_scoped3A, %dma_wait3A_64] : memref<2x128xi32, #tpu.memory_space<vmem>> -> memref<1x128xi32, #tpu.memory_space<vmem>>
      %dma_wait3A_66 = tpu.memref_squeeze %dma_wait3A_65 : memref<1x128xi32, #tpu.memory_space<vmem>> -> memref<128xi32, #tpu.memory_space<vmem>>
      %dma_wait3A_67 = tpu.memref_slice %arg3[%add3A_4] : memref<8192xi32, #tpu.memory_space<hbm>> -> memref<128xi32, #tpu.memory_space<hbm>>
      %dma_wait3A_68 = arith.constant 0 : i32
      %dma_wait3A_69 = tpu.memref_slice %arg7[%run_scoped3A, %dma_wait3A_68] : memref<2x128xi32, #tpu.memory_space<vmem>> -> memref<1x128xi32, #tpu.memory_space<vmem>>
      %dma_wait3A_70 = tpu.memref_squeeze %dma_wait3A_69 : memref<1x128xi32, #tpu.memory_space<vmem>> -> memref<128xi32, #tpu.memory_space<vmem>>
      %dma_wait3A_71 = tpu.memref_slice %arg3[%add3A_4] : memref<8192xi32, #tpu.memory_space<hbm>> -> memref<128xi32, #tpu.memory_space<hbm>>
      tpu.wait_dma2 semaphore(%run_scoped3A_55 : memref<!tpu.dma_semaphore, #tpu.memory_space<semaphore_mem>>) src(%dma_wait3A_71 : memref<128xi32, #tpu.memory_space<hbm>>) dst(%dma_wait3A_70 : memref<128xi32, #tpu.memory_space<vmem>>)
      tpu.yield
    }) : () -> ()
    %add3A_5 = arith.constant 128 : i32
    %add3A_6 = arith.addi %mul3A_2, %add3A_5 : i32
    %run_scoped3A_7 = arith.constant 1 : i32
    "tpu.region"() ({
      %run_scoped3A_55 = tpu.sem_alloc : memref<!tpu.dma_semaphore, #tpu.memory_space<semaphore_mem>>
      %dma_start3A_56 = arith.constant 0 : i32
      %dma_start3A_57 = tpu.memref_slice %arg7[%run_scoped3A_7, %dma_start3A_56] : memref<2x128xi32, #tpu.memory_space<vmem>> -> memref<1x128xi32, #tpu.memory_space<vmem>>
      %dma_start3A_58 = tpu.memref_squeeze %dma_start3A_57 : memref<1x128xi32, #tpu.memory_space<vmem>> -> memref<128xi32, #tpu.memory_space<vmem>>
      %dma_start3A_59 = tpu.memref_slice %arg3[%add3A_6] : memref<8192xi32, #tpu.memory_space<hbm>> -> memref<128xi32, #tpu.memory_space<hbm>>
      %dma_start3A_60 = arith.constant 0 : i32
      %dma_start3A_61 = tpu.memref_slice %arg7[%run_scoped3A_7, %dma_start3A_60] : memref<2x128xi32, #tpu.memory_space<vmem>> -> memref<1x128xi32, #tpu.memory_space<vmem>>
      %dma_start3A_62 = tpu.memref_squeeze %dma_start3A_61 : memref<1x128xi32, #tpu.memory_space<vmem>> -> memref<128xi32, #tpu.memory_space<vmem>>
      %dma_start3A_63 = tpu.memref_slice %arg3[%add3A_6] : memref<8192xi32, #tpu.memory_space<hbm>> -> memref<128xi32, #tpu.memory_space<hbm>>
      tpu.enqueue_dma source(%dma_start3A_63 : memref<128xi32, #tpu.memory_space<hbm>>) target(%dma_start3A_62 : memref<128xi32, #tpu.memory_space<vmem>>) target_semaphore(%run_scoped3A_55 : memref<!tpu.dma_semaphore, #tpu.memory_space<semaphore_mem>>)
      %dma_wait3A_64 = arith.constant 0 : i32
      %dma_wait3A_65 = tpu.memref_slice %arg7[%run_scoped3A_7, %dma_wait3A_64] : memref<2x128xi32, #tpu.memory_space<vmem>> -> memref<1x128xi32, #tpu.memory_space<vmem>>
      %dma_wait3A_66 = tpu.memref_squeeze %dma_wait3A_65 : memref<1x128xi32, #tpu.memory_space<vmem>> -> memref<128xi32, #tpu.memory_space<vmem>>
      %dma_wait3A_67 = tpu.memref_slice %arg3[%add3A_6] : memref<8192xi32, #tpu.memory_space<hbm>> -> memref<128xi32, #tpu.memory_space<hbm>>
      %dma_wait3A_68 = arith.constant 0 : i32
      %dma_wait3A_69 = tpu.memref_slice %arg7[%run_scoped3A_7, %dma_wait3A_68] : memref<2x128xi32, #tpu.memory_space<vmem>> -> memref<1x128xi32, #tpu.memory_space<vmem>>
      %dma_wait3A_70 = tpu.memref_squeeze %dma_wait3A_69 : memref<1x128xi32, #tpu.memory_space<vmem>> -> memref<128xi32, #tpu.memory_space<vmem>>
      %dma_wait3A_71 = tpu.memref_slice %arg3[%add3A_6] : memref<8192xi32, #tpu.memory_space<hbm>> -> memref<128xi32, #tpu.memory_space<hbm>>
      tpu.wait_dma2 semaphore(%run_scoped3A_55 : memref<!tpu.dma_semaphore, #tpu.memory_space<semaphore_mem>>) src(%dma_wait3A_71 : memref<128xi32, #tpu.memory_space<hbm>>) dst(%dma_wait3A_70 : memref<128xi32, #tpu.memory_space<vmem>>)
      tpu.yield
    }) : () -> ()
    %dma_start3A = arith.constant 0 : i32
    %dma_start3A_8 = arith.constant 0 : i32
    %dma_start3A_9 = arith.constant 0 : i32
    %dma_start3A_10 = tpu.memref_slice %arg8[%dma_start3A_8, %dma_start3A_9] : memref<256x32xf32, #tpu.memory_space<vmem>> -> memref<128x32xf32, #tpu.memory_space<vmem>>
    %dma_start3A_11 = arith.constant 0 : i32
    %dma_start3A_12 = tpu.memref_slice %arg7[%dma_start3A, %dma_start3A_11] : memref<2x128xi32, #tpu.memory_space<vmem>> -> memref<1x128xi32, #tpu.memory_space<vmem>>
    %dma_start3A_13 = tpu.memref_squeeze %dma_start3A_12 : memref<1x128xi32, #tpu.memory_space<vmem>> -> memref<128xi32, #tpu.memory_space<vmem>>
    %dma_start3A_14 = arith.constant 0 : i32
    %dma_start3A_15 = arith.constant 0 : i32
    %dma_start3A_16 = tpu.memref_slice %arg2[%dma_start3A_14, %dma_start3A_15] : memref<8192x32xf32, #tpu.memory_space<hbm>> -> memref<8192x32xf32, #tpu.memory_space<hbm>>
    tpu.enqueue_indirect_dma source(%dma_start3A_16 : memref<8192x32xf32, #tpu.memory_space<hbm>>) target(%dma_start3A_10 : memref<128x32xf32, #tpu.memory_space<vmem>>) offsets(%dma_start3A_13 : memref<128xi32, #tpu.memory_space<vmem>>) semaphore(%arg11 : memref<!tpu.dma_semaphore, #tpu.memory_space<semaphore_mem>>)
    %dma_wait3A = arith.constant 0 : i32
    %dma_wait3A_17 = arith.constant 0 : i32
    %dma_wait3A_18 = arith.constant 0 : i32
    %dma_wait3A_19 = tpu.memref_slice %arg8[%dma_wait3A_17, %dma_wait3A_18] : memref<256x32xf32, #tpu.memory_space<vmem>> -> memref<128x32xf32, #tpu.memory_space<vmem>>
    %dma_wait3A_20 = arith.constant 0 : i32
    %dma_wait3A_21 = tpu.memref_slice %arg7[%dma_wait3A, %dma_wait3A_20] : memref<2x128xi32, #tpu.memory_space<vmem>> -> memref<1x128xi32, #tpu.memory_space<vmem>>
    %dma_wait3A_22 = tpu.memref_squeeze %dma_wait3A_21 : memref<1x128xi32, #tpu.memory_space<vmem>> -> memref<128xi32, #tpu.memory_space<vmem>>
    %dma_wait3A_23 = arith.constant 0 : i32
    %dma_wait3A_24 = arith.constant 0 : i32
    %dma_wait3A_25 = tpu.memref_slice %arg2[%dma_wait3A_23, %dma_wait3A_24] : memref<8192x32xf32, #tpu.memory_space<hbm>> -> memref<8192x32xf32, #tpu.memory_space<hbm>>
    tpu.wait_indirect_dma semaphore(%arg11 : memref<!tpu.dma_semaphore, #tpu.memory_space<semaphore_mem>>) src(%dma_wait3A_25 : memref<8192x32xf32, #tpu.memory_space<hbm>>) dst(%dma_wait3A_19 : memref<128x32xf32, #tpu.memory_space<vmem>>)
    %dma_start3A_26 = arith.constant 1 : i32
    %dma_start3A_27 = arith.constant 128 : i32
    %dma_start3A_28 = arith.constant 0 : i32
    %dma_start3A_29 = tpu.memref_slice %arg8[%dma_start3A_27, %dma_start3A_28] : memref<256x32xf32, #tpu.memory_space<vmem>> -> memref<128x32xf32, #tpu.memory_space<vmem>>
    %dma_start3A_30 = arith.constant 0 : i32
    %dma_start3A_31 = tpu.memref_slice %arg7[%dma_start3A_26, %dma_start3A_30] : memref<2x128xi32, #tpu.memory_space<vmem>> -> memref<1x128xi32, #tpu.memory_space<vmem>>
    %dma_start3A_32 = tpu.memref_squeeze %dma_start3A_31 : memref<1x128xi32, #tpu.memory_space<vmem>> -> memref<128xi32, #tpu.memory_space<vmem>>
    %dma_start3A_33 = arith.constant 0 : i32
    %dma_start3A_34 = arith.constant 0 : i32
    %dma_start3A_35 = tpu.memref_slice %arg2[%dma_start3A_33, %dma_start3A_34] : memref<8192x32xf32, #tpu.memory_space<hbm>> -> memref<8192x32xf32, #tpu.memory_space<hbm>>
    tpu.enqueue_indirect_dma source(%dma_start3A_35 : memref<8192x32xf32, #tpu.memory_space<hbm>>) target(%dma_start3A_29 : memref<128x32xf32, #tpu.memory_space<vmem>>) offsets(%dma_start3A_32 : memref<128xi32, #tpu.memory_space<vmem>>) semaphore(%arg11 : memref<!tpu.dma_semaphore, #tpu.memory_space<semaphore_mem>>)
    %dma_wait3A_36 = arith.constant 1 : i32
    %dma_wait3A_37 = arith.constant 128 : i32
    %dma_wait3A_38 = arith.constant 0 : i32
    %dma_wait3A_39 = tpu.memref_slice %arg8[%dma_wait3A_37, %dma_wait3A_38] : memref<256x32xf32, #tpu.memory_space<vmem>> -> memref<128x32xf32, #tpu.memory_space<vmem>>
    %dma_wait3A_40 = arith.constant 0 : i32
    %dma_wait3A_41 = tpu.memref_slice %arg7[%dma_wait3A_36, %dma_wait3A_40] : memref<2x128xi32, #tpu.memory_space<vmem>> -> memref<1x128xi32, #tpu.memory_space<vmem>>
    %dma_wait3A_42 = tpu.memref_squeeze %dma_wait3A_41 : memref<1x128xi32, #tpu.memory_space<vmem>> -> memref<128xi32, #tpu.memory_space<vmem>>
    %dma_wait3A_43 = arith.constant 0 : i32
    %dma_wait3A_44 = arith.constant 0 : i32
    %dma_wait3A_45 = tpu.memref_slice %arg2[%dma_wait3A_43, %dma_wait3A_44] : memref<8192x32xf32, #tpu.memory_space<hbm>> -> memref<8192x32xf32, #tpu.memory_space<hbm>>
    tpu.wait_indirect_dma semaphore(%arg11 : memref<!tpu.dma_semaphore, #tpu.memory_space<semaphore_mem>>) src(%dma_wait3A_45 : memref<8192x32xf32, #tpu.memory_space<hbm>>) dst(%dma_wait3A_39 : memref<128x32xf32, #tpu.memory_space<vmem>>)
    "tpu.region"() ({
      %run_scoped3A_55 = tpu.sem_alloc : memref<!tpu.dma_semaphore, #tpu.memory_space<semaphore_mem>>
      %dma_start3A_56 = arith.constant 0 : i32
      %dma_start3A_57 = tpu.memref_slice %arg4[%mul3A_2, %dma_start3A_56] : memref<8192x32xf32, #tpu.memory_space<hbm>> -> memref<256x32xf32, #tpu.memory_space<hbm>>
      %dma_start3A_58 = arith.constant 0 : i32
      %dma_start3A_59 = tpu.memref_slice %arg4[%mul3A_2, %dma_start3A_58] : memref<8192x32xf32, #tpu.memory_space<hbm>> -> memref<256x32xf32, #tpu.memory_space<hbm>>
      tpu.enqueue_dma source(%dma_start3A_59 : memref<256x32xf32, #tpu.memory_space<hbm>>) target(%arg9 : memref<256x32xf32, #tpu.memory_space<vmem>>) target_semaphore(%run_scoped3A_55 : memref<!tpu.dma_semaphore, #tpu.memory_space<semaphore_mem>>)
      %dma_wait3A_60 = arith.constant 0 : i32
      %dma_wait3A_61 = tpu.memref_slice %arg4[%mul3A_2, %dma_wait3A_60] : memref<8192x32xf32, #tpu.memory_space<hbm>> -> memref<256x32xf32, #tpu.memory_space<hbm>>
      %dma_wait3A_62 = arith.constant 0 : i32
      %dma_wait3A_63 = tpu.memref_slice %arg4[%mul3A_2, %dma_wait3A_62] : memref<8192x32xf32, #tpu.memory_space<hbm>> -> memref<256x32xf32, #tpu.memory_space<hbm>>
      tpu.wait_dma2 semaphore(%run_scoped3A_55 : memref<!tpu.dma_semaphore, #tpu.memory_space<semaphore_mem>>) src(%dma_wait3A_63 : memref<256x32xf32, #tpu.memory_space<hbm>>) dst(%arg9 : memref<256x32xf32, #tpu.memory_space<vmem>>)
      tpu.yield
    }) : () -> ()
    %broadcast_in_dim3A = arith.constant 0.000000e+00 : f32
    %broadcast_in_dim3A_46 = vector.broadcast %broadcast_in_dim3A : f32 to vector<16xf32>
    %scan3A = arith.constant 0 : i32
    %scan3A_47 = arith.constant 256 : i32
    %scan3A_48 = arith.addi %scan3A, %scan3A_47 : i32
    %scan3A_49 = arith.constant 1 : i32
    %scan3A_50 = scf.for %scan3A_55 = %scan3A to %scan3A_48 step %scan3A_49 iter_args(%scan3A_56 = %broadcast_in_dim3A_46) -> (vector<16xf32>)  : i32 {
      %get3A = arith.index_cast %scan3A_55 : i32 to index
      %get3A_57 = arith.constant 0 : index
      %get3A_58 = tpu.vector_load %arg8[%get3A, %get3A_57] {strides = array<i32>} : memref<256x32xf32, #tpu.memory_space<vmem>>, vector<1x16xf32>,
      %get3A_59 = vector.shape_cast %get3A_58 : vector<1x16xf32> to vector<16xf32>
      %get3A_60 = arith.index_cast %scan3A_55 : i32 to index
      %get3A_61 = arith.constant 0 : index
      %get3A_62 = tpu.vector_load %arg9[%get3A_60, %get3A_61] {strides = array<i32>} : memref<256x32xf32, #tpu.memory_space<vmem>>, vector<1x16xf32>,
      %get3A_63 = vector.shape_cast %get3A_62 : vector<1x16xf32> to vector<16xf32>
      %sub3A = arith.subf %get3A_59, %get3A_63 : vector<16xf32>
      %add3A_64 = arith.addf %get3A_63, %sub3A : vector<16xf32>
      %swap3A_65 = arith.index_cast %scan3A_55 : i32 to index
      %swap3A_66 = arith.constant 0 : index
      %swap3A_67 = tpu.vector_load %arg8[%swap3A_65, %swap3A_66] {strides = array<i32>} : memref<256x32xf32, #tpu.memory_space<vmem>>, vector<1x16xf32>,
      %swap3A_68 = vector.shape_cast %swap3A_67 : vector<1x16xf32> to vector<16xf32>
      %swap3A_69 = vector.shape_cast %add3A_64 : vector<16xf32> to vector<1x16xf32>
      tpu.vector_store %arg8[%swap3A_65, %swap3A_66], %swap3A_69 {strides = array<i32>} : memref<256x32xf32, #tpu.memory_space<vmem>>, vector<1x16xf32>,
      %mul3A_70 = arith.mulf %sub3A, %sub3A : vector<16xf32>
      %add3A_71 = arith.addf %scan3A_56, %mul3A_70 : vector<16xf32>
      %get3A_72 = arith.index_cast %scan3A_55 : i32 to index
      %get3A_73 = arith.constant 16 : index
      %get3A_74 = tpu.vector_load %arg8[%get3A_72, %get3A_73] {strides = array<i32>} : memref<256x32xf32, #tpu.memory_space<vmem>>, vector<1x16xf32>,
      %get3A_75 = vector.shape_cast %get3A_74 : vector<1x16xf32> to vector<16xf32>
      %get3A_76 = arith.index_cast %scan3A_55 : i32 to index
      %get3A_77 = arith.constant 16 : index
      %get3A_78 = tpu.vector_load %arg9[%get3A_76, %get3A_77] {strides = array<i32>} : memref<256x32xf32, #tpu.memory_space<vmem>>, vector<1x16xf32>,
      %get3A_79 = vector.shape_cast %get3A_78 : vector<1x16xf32> to vector<16xf32>
      %sub3A_80 = arith.subf %get3A_75, %get3A_79 : vector<16xf32>
      %add3A_81 = arith.addf %get3A_79, %sub3A_80 : vector<16xf32>
      %swap3A_82 = arith.index_cast %scan3A_55 : i32 to index
      %swap3A_83 = arith.constant 16 : index
      %swap3A_84 = tpu.vector_load %arg8[%swap3A_82, %swap3A_83] {strides = array<i32>} : memref<256x32xf32, #tpu.memory_space<vmem>>, vector<1x16xf32>,
      %swap3A_85 = vector.shape_cast %swap3A_84 : vector<1x16xf32> to vector<16xf32>
      %swap3A_86 = vector.shape_cast %add3A_81 : vector<16xf32> to vector<1x16xf32>
      tpu.vector_store %arg8[%swap3A_82, %swap3A_83], %swap3A_86 {strides = array<i32>} : memref<256x32xf32, #tpu.memory_space<vmem>>, vector<1x16xf32>,
      %mul3A_87 = arith.mulf %sub3A_80, %sub3A_80 : vector<16xf32>
      %add3A_88 = arith.addf %add3A_71, %mul3A_87 : vector<16xf32>
      scf.yield %add3A_88 : vector<16xf32>
    }
    %scan3A_51 = arith.constant 256 : i32
    %swap3A = arith.constant 0 : index
    %swap3A_52 = tpu.vector_load %arg10[%swap3A] {strides = array<i32>} : memref<16xf32, #tpu.memory_space<vmem>>, vector<16xf32>,
    %swap3A_53 = vector.shape_cast %swap3A_52 : vector<16xf32> to vector<16xf32>
    %swap3A_54 = vector.shape_cast %scan3A_50 : vector<16xf32> to vector<16xf32>
    tpu.vector_store %arg10[%swap3A], %swap3A_54 {strides = array<i32>} : memref<16xf32, #tpu.memory_space<vmem>>, vector<16xf32>,
    "tpu.region"() ({
      %run_scoped3A_55 = tpu.sem_alloc : memref<!tpu.dma_semaphore, #tpu.memory_space<semaphore_mem>>
      %dma_start3A_56 = arith.constant 0 : i32
      %dma_start3A_57 = tpu.memref_slice %arg6[%add3A, %dma_start3A_56] : memref<32x16xf32, #tpu.memory_space<hbm>> -> memref<1x16xf32, #tpu.memory_space<hbm>>
      %dma_start3A_58 = tpu.memref_squeeze %dma_start3A_57 : memref<1x16xf32, #tpu.memory_space<hbm>> -> memref<16xf32, #tpu.memory_space<hbm>>
      %dma_start3A_59 = arith.constant 0 : i32
      %dma_start3A_60 = tpu.memref_slice %arg6[%add3A, %dma_start3A_59] : memref<32x16xf32, #tpu.memory_space<hbm>> -> memref<1x16xf32, #tpu.memory_space<hbm>>
      %dma_start3A_61 = tpu.memref_squeeze %dma_start3A_60 : memref<1x16xf32, #tpu.memory_space<hbm>> -> memref<16xf32, #tpu.memory_space<hbm>>
      tpu.enqueue_dma source(%arg10 : memref<16xf32, #tpu.memory_space<vmem>>) target(%dma_start3A_61 : memref<16xf32, #tpu.memory_space<hbm>>) target_semaphore(%run_scoped3A_55 : memref<!tpu.dma_semaphore, #tpu.memory_space<semaphore_mem>>)
      %dma_wait3A_62 = arith.constant 0 : i32
      %dma_wait3A_63 = tpu.memref_slice %arg6[%add3A, %dma_wait3A_62] : memref<32x16xf32, #tpu.memory_space<hbm>> -> memref<1x16xf32, #tpu.memory_space<hbm>>
      %dma_wait3A_64 = tpu.memref_squeeze %dma_wait3A_63 : memref<1x16xf32, #tpu.memory_space<hbm>> -> memref<16xf32, #tpu.memory_space<hbm>>
      %dma_wait3A_65 = arith.constant 0 : i32
      %dma_wait3A_66 = tpu.memref_slice %arg6[%add3A, %dma_wait3A_65] : memref<32x16xf32, #tpu.memory_space<hbm>> -> memref<1x16xf32, #tpu.memory_space<hbm>>
      %dma_wait3A_67 = tpu.memref_squeeze %dma_wait3A_66 : memref<1x16xf32, #tpu.memory_space<hbm>> -> memref<16xf32, #tpu.memory_space<hbm>>
      tpu.wait_dma2 semaphore(%run_scoped3A_55 : memref<!tpu.dma_semaphore, #tpu.memory_space<semaphore_mem>>) src(%arg10 : memref<16xf32, #tpu.memory_space<vmem>>) dst(%dma_wait3A_67 : memref<16xf32, #tpu.memory_space<hbm>>)
      tpu.yield
    }) : () -> ()
    "tpu.region"() ({
      %run_scoped3A_55 = tpu.sem_alloc : memref<!tpu.dma_semaphore, #tpu.memory_space<semaphore_mem>>
      %dma_start3A_56 = arith.constant 0 : i32
      %dma_start3A_57 = tpu.memref_slice %arg5[%mul3A_2, %dma_start3A_56] : memref<8192x32xf32, #tpu.memory_space<hbm>> -> memref<256x32xf32, #tpu.memory_space<hbm>>
      %dma_start3A_58 = arith.constant 0 : i32
      %dma_start3A_59 = tpu.memref_slice %arg5[%mul3A_2, %dma_start3A_58] : memref<8192x32xf32, #tpu.memory_space<hbm>> -> memref<256x32xf32, #tpu.memory_space<hbm>>
      tpu.enqueue_dma source(%arg8 : memref<256x32xf32, #tpu.memory_space<vmem>>) target(%dma_start3A_59 : memref<256x32xf32, #tpu.memory_space<hbm>>) target_semaphore(%run_scoped3A_55 : memref<!tpu.dma_semaphore, #tpu.memory_space<semaphore_mem>>)
      %dma_wait3A_60 = arith.constant 0 : i32
      %dma_wait3A_61 = tpu.memref_slice %arg5[%mul3A_2, %dma_wait3A_60] : memref<8192x32xf32, #tpu.memory_space<hbm>> -> memref<256x32xf32, #tpu.memory_space<hbm>>
      %dma_wait3A_62 = arith.constant 0 : i32
      %dma_wait3A_63 = tpu.memref_slice %arg5[%mul3A_2, %dma_wait3A_62] : memref<8192x32xf32, #tpu.memory_space<hbm>> -> memref<256x32xf32, #tpu.memory_space<hbm>>
      tpu.wait_dma2 semaphore(%run_scoped3A_55 : memref<!tpu.dma_semaphore, #tpu.memory_space<semaphore_mem>>) src(%arg8 : memref<256x32xf32, #tpu.memory_space<vmem>>) dst(%dma_wait3A_63 : memref<256x32xf32, #tpu.memory_space<hbm>>)
      tpu.yield
    }) : () -> ()
    return
  }
}

module attributes {stable_mosaic.version = 14 : i64} {
  func.func @_argmin_body(%arg0: i32, %arg1: memref<512x32xf32, #tpu.memory_space<vmem>>, %arg2: memref<8192x32xf32, #tpu.memory_space<vmem>>, %arg3: memref<512x1xf32, #tpu.memory_space<vmem>>, %arg4: memref<8192xf32, #tpu.memory_space<vmem>>, %arg5: memref<512xi32, #tpu.memory_space<vmem>>) attributes {dimension_semantics = [#tpu.dimension_semantics<arbitrary>], iteration_bounds = array<i64: 16>, scalar_prefetch = 0 : i64, scratch_operands = 0 : i64, tpu.core_type = #tpu.core_type<tc>, window_params = [{transform_indices = @transform_0, window_bounds = array<i64: 512, 32>}, {pipeline_mode = #tpu.pipeline_mode<synchronous>, transform_indices = @transform_1, window_bounds = array<i64: 8192, 32>}, {transform_indices = @transform_2, window_bounds = array<i64: 512, 1>}, {pipeline_mode = #tpu.pipeline_mode<synchronous>, transform_indices = @transform_3, window_bounds = array<i64: 8192>}, {transform_indices = @transform_4, window_bounds = array<i64: 512>}]} {
    %get3A = arith.constant 0 : index
    %get3A_0 = arith.constant 0 : index
    %get3A_1 = vector.load %arg1[%get3A, %get3A_0] : memref<512x32xf32, #tpu.memory_space<vmem>>, vector<512x32xf32>
    %get3A_2 = arith.constant 0 : index
    %get3A_3 = arith.constant 0 : index
    %get3A_4 = vector.load %arg2[%get3A_2, %get3A_3] : memref<8192x32xf32, #tpu.memory_space<vmem>>, vector<8192x32xf32>
    %get3A_5 = arith.constant 0 : index
    %get3A_6 = arith.constant 0 : index
    %get3A_7 = vector.load %arg3[%get3A_5, %get3A_6] : memref<512x1xf32, #tpu.memory_space<vmem>>, vector<512x1xf32>
    %get3A_8 = arith.constant 0 : index
    %get3A_9 = vector.load %arg4[%get3A_8] : memref<8192xf32, #tpu.memory_space<vmem>>, vector<8192xf32>
    %dot_general3A = arith.constant dense<0.000000e+00> : vector<512x8192xf32>
    %dot_general3A_10 = tpu.matmul %get3A_1, %get3A_4, %dot_general3A {dimension_numbers = #tpu.dot_dimension_numbers<[1], [1], [0], [0], [0, 0, 1, 0], [], []>, transpose_lhs_hint = false} : vector<512x32xf32>, vector<8192x32xf32>, vector<512x8192xf32> -> vector<512x8192xf32>
    %broadcast_in_dim3A = vector.shape_cast %get3A_9 : vector<8192xf32> to vector<1x8192xf32>
    %add3A = vector.broadcast %get3A_7 : vector<512x1xf32> to vector<512x8192xf32>
    %add3A_11 = vector.broadcast %broadcast_in_dim3A : vector<1x8192xf32> to vector<512x8192xf32>
    %add3A_12 = arith.addf %add3A, %add3A_11 : vector<512x8192xf32>
    %sub3A = arith.subf %add3A_12, %dot_general3A_10 : vector<512x8192xf32>
    %max3A = arith.constant 0.000000e+00 : f32
    %max3A_13 = vector.broadcast %max3A : f32 to vector<512x8192xf32>
    %max3A_14 = arith.maximumf %sub3A, %max3A_13 : vector<512x8192xf32>
    %sqrt3A = math.sqrt %max3A_14 : vector<512x8192xf32>
    %reduce_min3A = arith.constant dense<0x7F800000> : vector<512xf32>
    %reduce_min3A_15 = vector.multi_reduction <minimumf>, %sqrt3A, %reduce_min3A [1] : vector<512x8192xf32> to vector<512xf32>
    %broadcast_in_dim3A_16 = vector.shape_cast %reduce_min3A_15 : vector<512xf32> to vector<512x1xf32>
    %iota3A = tpu.iota {dimensions = array<i32: 1>} : vector<512x8192xi32>
    %eq3A = vector.broadcast %broadcast_in_dim3A_16 : vector<512x1xf32> to vector<512x8192xf32>
    %eq3A_17 = arith.cmpf oeq, %sqrt3A, %eq3A : vector<512x8192xf32>
    %jit3A = arith.constant 8192 : i32
    %broadcast_in_dim3A_18 = vector.broadcast %jit3A : i32 to vector<512x8192xi32>
    %select_n3A = arith.select %eq3A_17, %iota3A, %broadcast_in_dim3A_18 : vector<512x8192xi1>, vector<512x8192xi32>
    %reduce_min3A_19 = arith.constant dense<2147483647> : vector<512xi32>
    %reduce_min3A_20 = vector.multi_reduction <minsi>, %select_n3A, %reduce_min3A_19 [1] : vector<512x8192xi32> to vector<512xi32>
    %swap3A = arith.constant 0 : index
    %swap3A_21 = vector.load %arg5[%swap3A] : memref<512xi32, #tpu.memory_space<vmem>>, vector<512xi32>
    tpu.vector_store %arg5[%swap3A], %reduce_min3A_20 {strides = array<i32>} : memref<512xi32, #tpu.memory_space<vmem>>, vector<512xi32>,
    return
  }
  func.func @transform_0(%arg0: i32) -> (i32, i32) {
    %c0_i32 = arith.constant 0 : i32
    %c0_i32_0 = arith.constant 0 : i32
    return %arg0, %c0_i32 : i32, i32
  }
  func.func @transform_1(%arg0: i32) -> (i32, i32) {
    %c0_i32 = arith.constant 0 : i32
    %c0_i32_0 = arith.constant 0 : i32
    %c0_i32_1 = arith.constant 0 : i32
    return %c0_i32, %c0_i32_0 : i32, i32
  }
  func.func @transform_2(%arg0: i32) -> (i32, i32) {
    %c0_i32 = arith.constant 0 : i32
    %c0_i32_0 = arith.constant 0 : i32
    return %arg0, %c0_i32 : i32, i32
  }
  func.func @transform_3(%arg0: i32) -> i32 {
    %c0_i32 = arith.constant 0 : i32
    %c0_i32_0 = arith.constant 0 : i32
    return %c0_i32 : i32
  }
  func.func @transform_4(%arg0: i32) -> i32 {
    %c0_i32 = arith.constant 0 : i32
    return %arg0 : i32
  }
}

</mosaic_0001>

<sc_bundles>
// kernel: kernel.4.cloned.1.call-start
scs
__scs_entry_jumppad:
0x0: {  	(pc) =	sbr.rel $0x88, $3  }
0x1: {  	(tag) =	ssettag $0x0;
	lr =	simm.s32 $0x1  }
0x2: {  	[smem:$0x3F9F] =	sst lr;
	_ =	strace $0xD0000000  }
0x3: {  	_ = 	snop  }
0x4: {  	_ = 	snop  }
0x5: {  	_ = 	snop  }
0x6: {  	_ = 	snop  }
0x7: {  	_ = 	snop  }
__scs_overlays_trampoline_lowered:
0x8: {  	[smem:$0x3FAE] =	sst s0  }
0x9: {  	[smem:$0x3FAF] =	sst s1  }
0xa: {  	[smem:$0x3FB0] =	sst s2  }
0xb: {  	[smem:$0x3FB1] =	sst s3  }
0xc: {  	[smem:$0x3FB2] =	sst s4  }
0xd: {  	[smem:$0x3FB3] =	sst s5  }
0xe: {  	[smem:$0x3FB4] =	sst s6  }
0xf: {  	[smem:$0x3FB5] =	sst s7  }
0x10: {  	[smem:$0x3FB6] =	sst s8  }
0x11: {  	[smem:$0x3FB7] =	sst s9;
	s0 =	simm.s32 @!p0 $0x0  }
0x12: {  	s1 =	sld [smem:$0x3F9D];
	s0 =	simm.s32 @p0 $0x1  }
0x13: {  	[smem:$0x3FB8] =	sst s0;
	s0 =	simm.s32 @!p1 $0x0  }
0x14: {  	s2 =	sld [smem:$0x3F9C];
	s0 =	simm.s32 @p1 $0x1  }
0x15: {  	[smem:$0x3FB9] =	sst s0;
	s0 =	simm.s32 @!p2 $0x0  }
0x16: {  	s3 =	sld [smem:$0x3FDB];
	s0 =	simm.s32 @p2 $0x1  }
0x17: {  	s4 =	simm.s32 $0x1BF5;
	[smem:$0x3FBB] =	sst s0  }
0x18: {  	s0 =	sld [smem:$0x3F9E];
	_ =	swait.ge [sflag:s4], $0x0  }
0x19: {  	s7 =	sld [smem:$0x3F9F]  }
0x1a: {  	s8 =	sadd.s32 $0xFFFFE003, lr  }
0x1b: {  	s9 =	sadd.s32 $0xFFFFFEF7, lr;
	s5 =	simm.s32 $0xFFFFFFFF;
	p2 =	slt.u32 s8, $0xFFFFF086  }
0x1c: {  	p1 =	slt.u32 s9, $0xF7A;
	s5 =	simm.s32 @!p2 $0x0  }
0x1d: {  	s5 =	simm.s32 @p1 $0x1;
	p0 =	seq.s32 s7, s2  }
0x1e: {  	s7 =	smul.u32 @!p0 $0xF7A, s2;
	p2 =	seq.s32 @!p0 s5, $0x0  }
0x1f: {  	s9 =	smul.u32 $0xF7A, s1;
	s8 =	simm.s32 @!p0 $0x1BF5;
	p2 =	por !p2, p0  }
0x20: {  	[sflag:s8] =	ssyncset.s32 @!p0 $0xFFFFF086;
	s6 =	sadd.s32 @!p0 s3, s7;
	s7 =	simm.s32 @!p0 $0x108  }
0x21: {  	s3 =	sadd.s32 s3, s9;
	s6 =	sadd.s32 @!p0 $0x88, s6;
	s7 =	simm.s32 @p2 $0x1082  }
0x22: {  	[simem:s7], [sflag:s8] =	dma.local @!p0 [hbm:s6], $0xF7A  }
0x23: {  	s9 =	sor.u32 $0xD0000000, s2;
	s6 =	simm.s32 $0x108;
	_ =	swait.ge @!p0 [sflag:s8], $0x0  }
0x24: {  	s3 =	sadd.s32 $0x88, s3;
	s6 =	simm.s32 @!p1 $0x1082;
	[sflag:s4] =	ssyncset.s32 $0xFFFFF086  }
0x25: {  	[simem:s6], [sflag:s4] =	dma.local [hbm:s3], $0xF7A  }
0x26: {  	[smem:$0x3F9F] =	sst s1;
	(tag) =	ssettag s2;
	_ =	strace s9  }
0x27: {  	s1 =	sld [smem:$0x3FAF]  }
0x28: {  	s2 =	sld [smem:$0x3FB0]  }
0x29: {  	s4 =	sld [smem:$0x3FB2]  }
0x2a: {  	p0 =	seq.s32 s5, $0x0;
	s5 =	sld [smem:$0x3FB3]  }
0x2b: {  	s6 =	sld [smem:$0x3FB4]  }
0x2c: {  	s7 =	sld [smem:$0x3FB5]  }
0x2d: {  	s3 =	simm.s32 $0x108;
	s8 =	sld [smem:$0x3FB6]  }
0x2e: {  	s3 =	simm.s32 @!p0 $0x1082;
	s9 =	sld [smem:$0x3FB7]  }
0x2f: {  	lr =	sadd.s32 s0, s3;
	s0 =	sld [smem:$0x3FAE]  }
0x30: {  	s3 =	sld [smem:$0x3FB1]  }
0x31: {  	[smem:$0x3FBA] =	sst s10  }
0x32: {  	s10 =	sld [smem:$0x3FB8];
	_ =	sdelay $0x3  }
0x33: {  	p0 =	seq.s32 s10, $0x1;
	s10 =	sld [smem:$0x3FBA];
	_ =	sdelay $0x3  }
0x34: {  	[smem:$0x3FBA] =	sst s10  }
0x35: {  	s10 =	sld [smem:$0x3FB9];
	_ =	sdelay $0x3  }
0x36: {  	p1 =	seq.s32 s10, $0x1;
	s10 =	sld [smem:$0x3FBA];
	_ =	sdelay $0x3  }
0x37: {  	[smem:$0x3FBA] =	sst s10  }
0x38: {  	s10 =	sld [smem:$0x3FBB]  }
0x39: {  	_ = 	snop;
	(pc) =	sbr.ind lr, $3  }
0x3a: {  	_ = 	snop  }
0x3b: {  	_ = 	snop  }
0x3c: {  	p2 =	seq.s32 s10, $0x1;
	s10 =	sld [smem:$0x3FBA]  }
0x3d: {  	_ =	shalt  }
0x3e: {  	_ =	shalt  }
0x3f: {  	_ =	shalt  }
0x40: {  	_ =	shalt  }
0x41: {  	_ =	shalt  }
0x42: {  	_ =	shalt  }
0x43: {  	_ =	shalt  }
0x44: {  	_ =	shalt  }
0x45: {  	_ =	shalt  }
0x46: {  	_ =	shalt  }
0x47: {  	_ =	shalt  }
0x48: {  	_ =	shalt  }
0x49: {  	_ =	shalt  }
0x4a: {  	_ =	shalt  }
0x4b: {  	_ =	shalt  }
0x4c: {  	_ =	shalt  }
0x4d: {  	_ =	shalt  }
0x4e: {  	_ =	shalt  }
0x4f: {  	_ =	shalt  }
0x50: {  	_ =	shalt  }
0x51: {  	_ =	shalt  }
0x52: {  	_ =	shalt  }
0x53: {  	_ =	shalt  }
0x54: {  	_ =	shalt  }
0x55: {  	_ =	shalt  }
0x56: {  	_ =	shalt  }
0x57: {  	_ =	shalt  }
0x58: {  	_ =	shalt  }
0x59: {  	_ =	shalt  }
0x5a: {  	_ =	shalt  }
0x5b: {  	_ =	shalt  }
0x5c: {  	_ =	shalt  }
0x5d: {  	_ =	shalt  }
0x5e: {  	_ =	shalt  }
0x5f: {  	_ =	shalt  }
0x60: {  	_ =	shalt  }
0x61: {  	_ =	shalt  }
0x62: {  	_ =	shalt  }
0x63: {  	_ =	shalt  }
0x64: {  	_ =	shalt  }
0x65: {  	_ =	shalt  }
0x66: {  	_ =	shalt  }
0x67: {  	_ =	shalt  }
0x68: {  	_ =	shalt  }
0x69: {  	_ =	shalt  }
0x6a: {  	_ =	shalt  }
0x6b: {  	_ =	shalt  }
0x6c: {  	_ =	shalt  }
0x6d: {  	_ =	shalt  }
0x6e: {  	_ =	shalt  }
0x6f: {  	_ =	shalt  }
0x70: {  	_ =	shalt  }
0x71: {  	_ =	shalt  }
0x72: {  	_ =	shalt  }
0x73: {  	_ =	shalt  }
0x74: {  	_ =	shalt  }
0x75: {  	_ =	shalt  }
0x76: {  	_ =	shalt  }
0x77: {  	_ =	shalt  }
0x78: {  	_ =	shalt  }
0x79: {  	_ =	shalt  }
0x7a: {  	_ =	shalt  }
0x7b: {  	_ =	shalt  }
0x7c: {  	_ =	shalt  }
0x7d: {  	_ =	shalt  }
0x7e: {  	_ =	shalt  }
0x7f: {  	_ =	shalt  }
0x80: {  	_ =	shalt  }
0x81: {  	_ =	shalt  }
0x82: {  	_ =	shalt  }
0x83: {  	_ =	shalt  }
0x84: {  	_ =	shalt  }
0x85: {  	_ =	shalt  }
0x86: {  	_ =	shalt  }
0x87: {  	_ =	shalt  }
.Lfunc_end0:
.L_simem_size_0:
called_computation_lowered:
.L_overlay_start_0:
0x88: {  	s2 =	sld [smem:$0x3FD9]  }
0x89: {  	s3 =	sld [smem:$0x3FFE];
	_ =	sdelay $0x1  }
0x8a: {  	s1 =	srdreg.scid  }
0x8b: {  	s0 =	sand.u32 $0x1, s1  }
0x8c: {  	s14 =	sshll.u32 s0, $0xA;
	s2 =	sadd.s32 s3, s2  }
0x8d: {  	s2 =	sadd.s32 s2, s14  }
0x8e: {  	[smem:$0x3FC6] =	sst s2  }
0x8f: {  	_ = 	snop  }
0x90: {  	s2 =	sld [smem:$0x3FD0];
	_ =	sdelay $0x2  }
0x91: {  	s15 =	simm.s32 $0xA;
	s4 =	simm.s32 $0x10  }
0x92: {  	[smem:s4], [sflag:s15] =	dma.local [hbm:s2], $0x1  }
0x93: {  	_ =	swait.eq [sflag:s15], $0x1  }
0x94: {  	[sflag:s15] =	ssyncset.done $0x0  }
0x95: {  	[sflag:s15] =	ssyncadd.s32 $0xFFFFFFFF  }
0x96: {  	s16 =	sld [smem:$0x10];
	(tm) =	ssettm $0x1  }
0x97: {  	s17 =	sld [smem:$0x3FFB];
	_ =	sdelay $0x3  }
0x98: {  	_ =	strace s17  }
0x99: {  	s3 =	sld [smem:$0x3FFC];
	_ =	sdelay $0x3  }
0x9a: {  	_ =	strace s3  }
0x9b: {  	s3 =	sld [smem:$0x3FFD];
	_ =	sdelay $0x3  }
0x9c: {  	_ =	strace s3  }
0x9d: {  	_ =	strace $0x8FFFFFFF  }
0x9e: {  	s18 =	sld [smem:$0x3FDB];
	_ =	sdelay $0x1  }
0x9f: {  	s19 =	simm.s32 $_scs_section_size  }
0xa0: {  	s5 =	simm.s32 $_size__tile_overlayer_lowered;
	s6 =	simm.s32 $_tile_overlayer_lowered  }
0xa1: {  	s22 =	simm.s32 $0x1BFF;
	s21 =	sshll.u32 s6, $0x1;
	s3 =	sadd.s32 s19, s18  }
0xa2: {  	s7 =	simm.s32 $0x0;
	s20 =	sshll.u32 s5, $0x1;
	s5 =	sadd.s32 s21, s3  }
0xa3: {  	[timem:s7], [sflag:s22] =	dma.local [hbm:s5], s20  }
0xa4: {  	_ =	swait.ge [sflag:s22], s20  }
0xa5: {  	s4 =	ssub.s32 $0x0, s20;
	[sflag:s22] =	ssyncset.done $0x0  }
0xa6: {  	[sflag:s22] =	ssyncadd.s32 s4;
	_ =	sdelay $0x1  }
0xa7: {  	s23 =	simm.s32 $0x1B8B  }
0xa8: {  	_ =	swait.ge [sflag:s23], $0x1  }
0xa9: {  	[sflag:s23] =	ssyncset.done $0x0  }
0xaa: {  	s25 =	simm.s32 $0x1B8E;
	s24 =	sld [smem:$0x3FFE];
	[sflag:s23] =	ssyncadd.s32 $0xFFFFFFFF  }
0xab: {  	s26 =	simm.s32 $execute0_lowered;
	[smem:$0x3FD2] =	sst s25  }
0xac: {  	s5 =	sshll.u32 s26, $0x1;
	_ =	strace $0x80000046;
	[dreg:$0x1] =	wrdreg $0xFFFFFFFF  }
0xad: {  	s28 =	simm.s32 $_size_execute0_lowered;
	s3 =	sadd.s32 s3, s5;
	[dreg:$0x0] =	wrdreg $0x0  }
0xae: {  	s5 =	sshll.u32 s28, $0x1;
	[dreg:$0x2] =	wrdreg s3  }
0xaf: {  	[dreg:$0x3] =	wrdreg s5  }
0xb0: {  	[dreg:$0x4] =	wrdreg $0xC0  }
0xb1: {  	_ =	task [dreg:s7], $0x5FFFF  }
0xb2: {  	[dreg:$0x1] =	wrdreg $0xFFFFFFFF  }
0xb3: {  	[dreg:$0x0] =	wrdreg $0x60  }
0xb4: {  	[dreg:$0x2] =	wrdreg s16  }
0xb5: {  	[dreg:$0x3] =	wrdreg s24  }
0xb6: {  	[dreg:$0x4] =	wrdreg $0x9  }
0xb7: {  	_ =	task.clear_ibuf [dreg:s7], $0x5FFFF;
	_ =	strace $0x90000046  }
0xb8: {  	s29 =	simm.s32 $0x9;
	_ =	strace $0x80000048  }
0xb9: {  	_ =	swait.ge [sflag:s29], $0x1  }
0xba: {  	[sflag:s29] =	ssyncadd.s32 $0xFFFFFFFF  }
0xbb: {  	_ =	strace $0x90000048  }
0xbc: {  	_ =	sfence  }
0xbd: {  	s30 =	sld [smem:$0x0];
	_ =	sdelay $0x2  }
0xbe: {  	s31 =	sshll.u32 s1, $0xD;
	s1 =	sshrl.u32 s1, $0x2  }
0xbf: {  	s3 =	sand.u32 $0x4000, s31;
	s1 =	sadd.s32 s1, s30  }
0xc0: {  	s0 =	sor.u32 s3, s0;
	s1 =	sshll.u32 s1, $0x11  }
0xc1: {  	s0 =	sor.u32 s1, s0  }
0xc2: {  	s0 =	sadd.s32 $0x8F2B, s0  }
0xc3: {  	[sflag:s0] =	ssyncadd.remote.s32 $0x1  }
0xc4: {  	_ =	sfence.sel $0xFFFF  }
0xc5: {  	[dreg:$0x0] =	wrdreg $0xFFFFFFFF;
	(pc) =	sbr.abs _section_cstart, $3  }
0xc6: {  	[dreg:$0x1] =	wrdreg $0xFFFFFFFF  }
0xc7: {  	_ =	task.clear_ibuf [dreg:s7], $0x2FFFF;
	_ =	strace $0x9FFFFFFF  }
0xc8: {  	(tm) =	ssettm $0x7FFFFFFF  }
0xc9: {  	_ =	shalt  }
tec
execute0_lowered:
.L_overlay_start_1:
0x0: {  	(tag) =	ssettag $0x1  }
0x1: {  	s2 =	rddreg [dreg:$0x0]  }
0x2: {  	s5 =	rddreg [dreg:$0x1]  }
0x3: {  	s0 =	rddreg [dreg:$0x2]  }
0x4: {  	s4 =	srdreg.scid;
	s1 =	stileid.u32;
	s3 =	simm.s32 $0x0  }
0x5: {  	s10 =	simm.s32 $0x2;
	s11 =	simm.s32 $0x80;
	s12 =	simm.s32 $0x100  }
0x6: {  	s13 =	simm.s32 $0x1;
	s14 =	simm.s32 $0x1100;
	s15 =	simm.s32 $0x2100  }
0x7: {  	s16 =	simm.s32 $0x4100;
	s4 =	sand.u32 $0x1, s4;
	s6 =	sshll.u32 s1, $0x1  }
0x8: {  	s17 =	simm.s32 $0x0;
	[smem:$0x7FF] =	sst s3;
	s6 =	sor.u32 s4, s6  }
0x9: {  	_ =	strace $0x80000047;
	s4 =	ssub.s32 $0x2, s4;
	s7 =	sshll.u32 s6, $0x5  }
0xa: {  	s8 =	sshll.u32 s6, $0x1;
	s9 =	sshrl.u32 s4, $0x1;
	s6 =	sshll.u32 s6, $0xA  }
0xb: {  	s7 =	sadd.s32 s7, s5;
	s8 =	sadd.s32 s8, s5;
	s9 =	ssub.s32 s4, s9  }
0xc: {  	s5 =	sadd.s32 s5, s6;
	s4 =	sadd.s32 $0x8000, s7;
	s6 =	sadd.s32 $0x8010, s7  }
0xd: {  	s7 =	sadd.s32 $0x8400, s8;
	s8 =	sadd.s32 $0x8600, s5;
	s9 =	smax.u32 s9, $0x1  }
.LBB2_1:
0xe: {  	[tilespmem:s3], [sflag:$0x2] =	stream.linear.gather [hbm4b:s4+s3], $0x80, $0x38;
	[tilespmem:$0x4110] =	vst v63  }
0xf: {  	_ =	swait.ge [sflag:s10], $0x80  }
0x10: {  	[sflag:s10] =	ssyncset.done $0x0  }
0x11: {  	[sflag:s10] =	ssyncadd.s32 $0xFFFFFF80  }
0x12: {  	[tilespmem:s11], [sflag:$0x2] =	stream.linear.gather [hbm4b:s6+s3], $0x80, $0x38;
	[tilespmem:$0x4110] =	vst v63  }
0x13: {  	_ =	swait.ge [sflag:s10], $0x80  }
0x14: {  	[sflag:s10] =	ssyncset.done $0x0  }
0x15: {  	[sflag:s10] =	ssyncadd.s32 $0xFFFFFF80  }
0x16: {  	[tilespmem:s12], [sflag:$0x1] =	stream.indirect.gather [hbm4b:s2+s11], $0x20, s3, s11, $0xb8;
	[tilespmem:$0x4110] =	vst v63  }
0x17: {  	_ =	swait.ge [sflag:s13], $0x1000  }
0x18: {  	[sflag:s13] =	ssyncset.done $0x0  }
0x19: {  	[sflag:s13] =	ssyncadd.s32 $0xFFFFF000  }
0x1a: {  	[tilespmem:s14], [sflag:$0x1] =	stream.indirect.gather [hbm4b:s2+s11], $0x20, s11, s11, $0xb8;
	[tilespmem:$0x4110] =	vst v63  }
0x1b: {  	_ =	swait.ge [sflag:s13], $0x1000  }
0x1c: {  	[sflag:s13] =	ssyncset.done $0x0  }
0x1d: {  	[sflag:s13] =	ssyncadd.s32 $0xFFFFF000  }
0x1e: {  	[tilespmem:s15], [sflag:$0x2] =	stream.linear.gather [hbm4b:s5+s3], $0x2000, $0x38;
	[tilespmem:$0x4110] =	vst v63  }
0x1f: {  	_ =	swait.ge [sflag:s10], $0x2000  }
0x20: {  	[sflag:s10] =	ssyncset.done $0x0  }
0x21: {  	s18 =	simm.s32 $0x0;
	[sflag:s10] =	ssyncadd.s32 $0xFFFFE000  }
0x22: {  	v3 =	vld [tilespmem:s18+$0x2110]  }
0x23: {  	v0 =	vld [tilespmem:s18+$0x2100]  }
0x24: {  	v1 =	vld [tilespmem:s18+$0x100]  }
0x25: {  	v2 =	vld [tilespmem:s18+$0x110];
	_ =	sdelay $0x3  }
0x26: {  	v5 =	vsub.f32 v1, v0  }
0x27: {  	v6 =	vsub.f32 v2, v3  }
0x28: {  	s19 =	simm.s32 $0x20;
	v4 =	vadd.f32 v5, v0;
	v2 =	vmul.f32 v5, v5  }
0x29: {  	s20 =	simm.s32 $0x100;
	v1 =	vimm.f32 $0.0e+00;
	v0 =	vld [tilespmem:s19+$0x2110];
	v5 =	vadd.f32 v6, v3;
	v3 =	vmul.f32 v6, v6  }
.LBB2_2:
0x2a: {  	p0 =	sne.s32 s20, $0x7F80;
	v6 =	vld [tilespmem:s19+$0x2100];
	[tilespmem:s18+$0x100] =	vst v4;
	v1 =	vadd.f32 v2, v1  }
0x2b: {  	v2 =	vld [tilespmem:s19+$0x100];
	[tilespmem:s18+$0x110] =	vst v5;
	s18 =	smov.u32 s19  }
0x2c: {  	v4 =	vld [tilespmem:s18+$0x110];
	v1 =	vadd.f32 v3, v1;
	_ =	sdelay $0x2  }
.Ltmp0:
0x2d: {  	(pc) =	sbr.rel @p0 .LBB2_2-.Ltmp0, $4  }
0x2e: {  	v2 =	vsub.f32 v2, v6  }
0x2f: {  	v3 =	vsub.f32 v4, v0  }
0x30: {  	s19 =	sshra.s32 s20, $0x2;
	v4 =	vadd.f32 v2, v6;
	v2 =	vmul.f32 v2, v2  }
0x31: {  	s20 =	sadd.s32 $0x80, s20;
	v5 =	vadd.f32 v3, v0;
	v0 =	vld [tilespmem:s19+$0x2110];
	v3 =	vmul.f32 v3, v3  }
0x32: {  	v6 =	vld [tilespmem:s19+$0x2100];
	[tilespmem:s18+$0x100] =	vst v4  }
0x33: {  	v4 =	vld [tilespmem:s19+$0x100]  }
0x34: {  	[tilespmem:s18+$0x110] =	vst v5  }
0x35: {  	v5 =	vld [tilespmem:s19+$0x110];
	_ =	sdelay $0x2  }
0x36: {  	v1 =	vadd.f32 v2, v1;
	v62 =	vsub.f32 v4, v6;
	_ =	sdelay $0x1  }
0x37: {  	v1 =	vadd.f32 v3, v1;
	v63 =	vsub.f32 v5, v0;
	v4 =	vmul.f32 v62, v62;
	_ =	sdelay $0x1  }
0x38: {  	v2 =	vadd.f32 v62, v6;
	v5 =	vmul.f32 v63, v63;
	v1 =	vadd.f32 v4, v1  }
0x39: {  	v0 =	vadd.f32 v63, v0  }
0x3a: {  	[tilespmem:s19+$0x100] =	vst v2;
	v1 =	vadd.f32 v5, v1  }
0x3b: {  	[tilespmem:s19+$0x110] =	vst v0  }
0x3c: {  	[tilespmem:$0x4100] =	vst v1  }
0x3d: {  	[hbm4b:s7+s3] =	stream.linear.scatter [tilespmem:s16], [sflag:$0x2], $0x10, $0x38;
	[tilespmem:$0x4110] =	vst v63  }
0x3e: {  	s17 =	sadd.s32 $0x1, s17;
	_ =	swait.ge [sflag:s10], $0x10  }
0x3f: {  	p0 =	sne.s32 s17, s9;
	[sflag:s10] =	ssyncset.done $0x0  }
.Ltmp1:
0x40: {  	[sflag:s10] =	ssyncadd.s32 $0xFFFFFFF0;
	(pc) =	sbr.rel @p0 .LBB2_1-.Ltmp1, $4  }
0x41: {  	[hbm4b:s8+s3] =	stream.linear.scatter [tilespmem:s12], [sflag:$0x2], $0x2000, $0x38;
	[tilespmem:$0x4110] =	vst v63  }
0x42: {  	_ =	swait.ge [sflag:s10], $0x2000  }
0x43: {  	[sflag:s10] =	ssyncset.done $0x0  }
0x44: {  	[sflag:s10] =	ssyncadd.s32 $0xFFFFE000  }
0x45: {  	_ =	sfence.sel $0x180000  }
0x46: {  	[bflag:$0x0] =	sbarrier.arrive $0xFFFF  }
0x47: {  	p0 =	sne.s32 s1, $0x0;
	_ =	strace $0x90000047  }
0x48: {  	s0 =	sadd.s32 @!p0 $0x100000, s0;
	[bflag:$0x2] =	sbarrier.arrive $0xFFFF  }
0x49: {  	[sflag:s0] =	ssyncadd.tile.s32 @!p0 $0x1;
	_ =	shalt  }
.Lfunc_end2:
_tile_overlayer_lowered:
.L_overlay_start_2:
0x4a: {  	(tag) =	ssettag $0x2  }
0x4b: {  	s0 =	rddreg [dreg:$0x0];
	s2 =	stileid.u32  }
0x4c: {  	s1 =	rddreg [dreg:$0x1];
	p0 =	sne.s32 s2, $0x0  }
0x4d: {  	s3 =	rddreg [dreg:$0x2];
	[bflag:$0x3] =	sbarrier.arrive $0xFFFF;
	s2 =	simm.s32 @!p0 $0x1C02  }
0x4e: {  	[timem:s3], [sflag:s2] =	dma.local @!p0 [hbm:s0], s1  }
0x4f: {  	s0 =	simm.s32 @!p0 $0x2  }
0x50: {  	_ =	swait.ge @!p0 [sflag:s0], s1  }
0x51: {  	s1 =	ssub.s32 @!p0 $0x0, s1;
	[sflag:s0] =	ssyncset.done @!p0 $0x0  }
0x52: {  	[sflag:s0] =	ssyncadd.s32 @!p0 s1  }
0x53: {  	[bflag:$0x3] =	sbarrier.arrive $0xFFFF  }
0x54: {  	_ =	shalt  }

</sc_bundles>
